<compile_context>
chip_gen: v7x
topology: tpu7x:2x2x1
jax: 0.10.2.dev20260603
libtpu: 0.0.44.dev20260713+nightly
codegen_flags: <defaults>
</compile_context>

<pallas_src>
import functools

import jax
import jax.numpy as jnp
from jax import lax
from jax.experimental import pallas as pl
from jax.experimental.pallas import tpu as pltpu
from jax.experimental.pallas import tpu_sc as plsc

_CHUNK = 128
_NBUF = 5


@functools.lru_cache(maxsize=None)
def _make_gather(num_rows: int, dim: int, vocab: int):
  info = plsc.get_sparse_core_info()
  nc, ns = info.num_cores, info.num_subcores
  nw = nc * ns
  rows_per_w = num_rows // nw
  n_chunks = rows_per_w // _CHUNK
  assert rows_per_w % _CHUNK == 0 and n_chunks % _NBUF == 0
  n_outer = n_chunks // _NBUF

  mesh = plsc.VectorSubcoreMesh(core_axis_name="c", subcore_axis_name="s")

  @functools.partial(
      pl.kernel,
      mesh=mesh,
      out_type=jax.ShapeDtypeStruct((num_rows, dim), jnp.float32),
      scratch_types=[
          pltpu.VMEM((n_chunks, _CHUNK), jnp.int32),
          [pltpu.VMEM((_CHUNK, dim), jnp.float32) for _ in range(_NBUF)],
          [pltpu.SemaphoreType.DMA for _ in range(_NBUF)],
          [pltpu.SemaphoreType.DMA for _ in range(_NBUF)],
      ],
  )
  def gather(ids_hbm, table_hbm, out_hbm, idx_v, bufs, gsems, osems):
    wid = lax.axis_index("s") * nc + lax.axis_index("c")
    base = wid * rows_per_w
    pltpu.sync_copy(ids_hbm.at[wid], idx_v)

    for b in range(_NBUF):
      pltpu.async_copy(table_hbm.at[idx_v.at[b]], bufs[b], gsems[b])

    def step(i, _):
      for b in range(_NBUF):
        j = i * _NBUF + b
        pltpu.make_async_copy(
            table_hbm.at[idx_v.at[j]], bufs[b], gsems[b]).wait()
        out_slice = out_hbm.at[pl.ds(base + j * _CHUNK, _CHUNK)]
        pltpu.async_copy(bufs[b], out_slice, osems[b])

        @pl.when(i < n_outer - 1)
        def _():
          pltpu.make_async_copy(bufs[b], out_slice, osems[b]).wait()
          pltpu.async_copy(
              table_hbm.at[idx_v.at[j + _NBUF]], bufs[b], gsems[b])

      return 0

    lax.fori_loop(0, n_outer, step, 0, unroll=False)

    for b in range(_NBUF):
      j = (n_outer - 1) * _NBUF + b
      out_slice = out_hbm.at[pl.ds(base + j * _CHUNK, _CHUNK)]
      pltpu.make_async_copy(bufs[b], out_slice, osems[b]).wait()

  return gather


def kernel(token_ids, weight):
  b, s = token_ids.shape
  vocab, dim = weight.shape
  num_rows = b * s
  info = plsc.get_sparse_core_info()
  nw = info.num_cores * info.num_subcores
  ids = token_ids.reshape(nw, num_rows // (nw * _CHUNK), _CHUNK).astype(jnp.int32)
  out = _make_gather(num_rows, dim, vocab)(ids, weight)
  return out.reshape(b, s, dim)

# --- scband reference (transcript-rebuilt; emitter-appended) ---
"""Pipeline reference for scband-embedding-57947698757673 (READ-ONLY COPY).

The authoritative reference and input builder live on the scoring server;
editing this copy changes nothing except your own understanding.
"""

import jax, jax.numpy as jnp
import numpy as np

NUM_EMBEDDINGS = 100000
EMBEDDING_DIM = 128
BATCH = 1024
SEQ = 200

def setup_inputs(seed: int = 0) -> dict:
    key = jax.random.key(seed)
    k_ids, k_w = jax.random.split(key)
    token_ids = jax.random.randint(k_ids, (BATCH, SEQ), 0, NUM_EMBEDDINGS, dtype=jnp.int64 if jax.config.jax_enable_x64 else jnp.int32)
    # trunc_normal_(mean=0, std=1, a=-3, b=3)
    weight = jax.random.truncated_normal(k_w, -3.0, 3.0, (NUM_EMBEDDINGS, EMBEDDING_DIM), dtype=jnp.float32)
    return {"token_ids": token_ids, "weight": weight}

def reference(token_ids, weight):
    # Faithful to the torch module: output[i][j] = weight[token_ids[i][j]]
    return jnp.take(weight, token_ids, axis=0)

if __name__ == "__main__":
    import jax
    _d = setup_inputs()
    print(jax.jit(kernel)(*tuple(_d.values())))

</pallas_src>

<mosaic_0001>
#map = affine_map<(d0, d1) -> (0, 0, 0)>
#map1 = affine_map<(d0, d1) -> (0, 0)>
module attributes {stable_mosaic.version = 14 : i64} {
  func.func @gather(%arg0: i32, %arg1: i32, %arg2: memref<32x50x128xi32, #tpu.memory_space<hbm>>, %arg3: memref<100000x128xf32, #tpu.memory_space<hbm>>, %arg4: memref<204800x128xf32, #tpu.memory_space<hbm>>, %arg5: memref<50x128xi32, #tpu.memory_space<vmem>>, %arg6: memref<128x128xf32, #tpu.memory_space<vmem>>, %arg7: memref<128x128xf32, #tpu.memory_space<vmem>>, %arg8: memref<128x128xf32, #tpu.memory_space<vmem>>, %arg9: memref<128x128xf32, #tpu.memory_space<vmem>>, %arg10: memref<128x128xf32, #tpu.memory_space<vmem>>, %arg11: memref<!tpu.dma_semaphore, #tpu.memory_space<semaphore_mem>>, %arg12: memref<!tpu.dma_semaphore, #tpu.memory_space<semaphore_mem>>, %arg13: memref<!tpu.dma_semaphore, #tpu.memory_space<semaphore_mem>>, %arg14: memref<!tpu.dma_semaphore, #tpu.memory_space<semaphore_mem>>, %arg15: memref<!tpu.dma_semaphore, #tpu.memory_space<semaphore_mem>>, %arg16: memref<!tpu.dma_semaphore, #tpu.memory_space<semaphore_mem>>, %arg17: memref<!tpu.dma_semaphore, #tpu.memory_space<semaphore_mem>>, %arg18: memref<!tpu.dma_semaphore, #tpu.memory_space<semaphore_mem>>, %arg19: memref<!tpu.dma_semaphore, #tpu.memory_space<semaphore_mem>>, %arg20: memref<!tpu.dma_semaphore, #tpu.memory_space<semaphore_mem>>) attributes {dimension_semantics = [#tpu.dimension_semantics<core_parallel>, #tpu.dimension_semantics<subcore_parallel>], iteration_bounds = array<i64: 2, 16>, scalar_prefetch = 0 : i64, scratch_operands = 16 : i64, tpu.core_type = #tpu.core_type<sc_vector_subcore>, window_params = [{transform_indices = #map}, {transform_indices = #map1}, {transform_indices = #map1}]} {
    %mul3A = arith.constant 2 : i32
    %mul3A_0 = arith.muli %arg1, %mul3A : i32
    %add3A = arith.addi %mul3A_0, %arg0 : i32
    %mul3A_1 = arith.constant 6400 : i32
    %mul3A_2 = arith.muli %add3A, %mul3A_1 : i32
    "tpu.region"() ({
      %run_scoped3A = tpu.sem_alloc : memref<!tpu.dma_semaphore, #tpu.memory_space<semaphore_mem>>
      %dma_start3A_72 = arith.constant 0 : i32
      %dma_start3A_73 = arith.constant 0 : i32
      %dma_start3A_74 = tpu.memref_slice %arg2[%add3A, %dma_start3A_72, %dma_start3A_73] : memref<32x50x128xi32, #tpu.memory_space<hbm>> -> memref<1x50x128xi32, #tpu.memory_space<hbm>>
      %dma_start3A_75 = tpu.memref_squeeze %dma_start3A_74 : memref<1x50x128xi32, #tpu.memory_space<hbm>> -> memref<50x128xi32, #tpu.memory_space<hbm>>
      %dma_start3A_76 = arith.constant 0 : i32
      %dma_start3A_77 = arith.constant 0 : i32
      %dma_start3A_78 = tpu.memref_slice %arg2[%add3A, %dma_start3A_76, %dma_start3A_77] : memref<32x50x128xi32, #tpu.memory_space<hbm>> -> memref<1x50x128xi32, #tpu.memory_space<hbm>>
      %dma_start3A_79 = tpu.memref_squeeze %dma_start3A_78 : memref<1x50x128xi32, #tpu.memory_space<hbm>> -> memref<50x128xi32, #tpu.memory_space<hbm>>
      tpu.enqueue_dma source(%dma_start3A_79 : memref<50x128xi32, #tpu.memory_space<hbm>>) target(%arg5 : memref<50x128xi32, #tpu.memory_space<vmem>>) target_semaphore(%run_scoped3A : memref<!tpu.dma_semaphore, #tpu.memory_space<semaphore_mem>>)
      %dma_wait3A_80 = arith.constant 0 : i32
      %dma_wait3A_81 = arith.constant 0 : i32
      %dma_wait3A_82 = tpu.memref_slice %arg2[%add3A, %dma_wait3A_80, %dma_wait3A_81] : memref<32x50x128xi32, #tpu.memory_space<hbm>> -> memref<1x50x128xi32, #tpu.memory_space<hbm>>
      %dma_wait3A_83 = tpu.memref_squeeze %dma_wait3A_82 : memref<1x50x128xi32, #tpu.memory_space<hbm>> -> memref<50x128xi32, #tpu.memory_space<hbm>>
      %dma_wait3A_84 = arith.constant 0 : i32
      %dma_wait3A_85 = arith.constant 0 : i32
      %dma_wait3A_86 = tpu.memref_slice %arg2[%add3A, %dma_wait3A_84, %dma_wait3A_85] : memref<32x50x128xi32, #tpu.memory_space<hbm>> -> memref<1x50x128xi32, #tpu.memory_space<hbm>>
      %dma_wait3A_87 = tpu.memref_squeeze %dma_wait3A_86 : memref<1x50x128xi32, #tpu.memory_space<hbm>> -> memref<50x128xi32, #tpu.memory_space<hbm>>
      tpu.wait_dma2 semaphore(%run_scoped3A : memref<!tpu.dma_semaphore, #tpu.memory_space<semaphore_mem>>) src(%dma_wait3A_87 : memref<50x128xi32, #tpu.memory_space<hbm>>) dst(%arg5 : memref<50x128xi32, #tpu.memory_space<vmem>>)
      tpu.yield
    }) : () -> ()
    %dma_start3A = arith.constant 0 : i32
    %dma_start3A_3 = arith.constant 0 : i32
    %dma_start3A_4 = tpu.memref_slice %arg5[%dma_start3A, %dma_start3A_3] : memref<50x128xi32, #tpu.memory_space<vmem>> -> memref<1x128xi32, #tpu.memory_space<vmem>>
    %dma_start3A_5 = tpu.memref_squeeze %dma_start3A_4 : memref<1x128xi32, #tpu.memory_space<vmem>> -> memref<128xi32, #tpu.memory_space<vmem>>
    %dma_start3A_6 = arith.constant 0 : i32
    %dma_start3A_7 = arith.constant 0 : i32
    %dma_start3A_8 = tpu.memref_slice %arg3[%dma_start3A_6, %dma_start3A_7] : memref<100000x128xf32, #tpu.memory_space<hbm>> -> memref<100000x128xf32, #tpu.memory_space<hbm>>
    tpu.enqueue_indirect_dma source(%dma_start3A_8 : memref<100000x128xf32, #tpu.memory_space<hbm>>) target(%arg6 : memref<128x128xf32, #tpu.memory_space<vmem>>) offsets(%dma_start3A_5 : memref<128xi32, #tpu.memory_space<vmem>>) semaphore(%arg11 : memref<!tpu.dma_semaphore, #tpu.memory_space<semaphore_mem>>)
    %dma_start3A_9 = arith.constant 1 : i32
    %dma_start3A_10 = arith.constant 0 : i32
    %dma_start3A_11 = tpu.memref_slice %arg5[%dma_start3A_9, %dma_start3A_10] : memref<50x128xi32, #tpu.memory_space<vmem>> -> memref<1x128xi32, #tpu.memory_space<vmem>>
    %dma_start3A_12 = tpu.memref_squeeze %dma_start3A_11 : memref<1x128xi32, #tpu.memory_space<vmem>> -> memref<128xi32, #tpu.memory_space<vmem>>
    %dma_start3A_13 = arith.constant 0 : i32
    %dma_start3A_14 = arith.constant 0 : i32
    %dma_start3A_15 = tpu.memref_slice %arg3[%dma_start3A_13, %dma_start3A_14] : memref<100000x128xf32, #tpu.memory_space<hbm>> -> memref<100000x128xf32, #tpu.memory_space<hbm>>
    tpu.enqueue_indirect_dma source(%dma_start3A_15 : memref<100000x128xf32, #tpu.memory_space<hbm>>) target(%arg7 : memref<128x128xf32, #tpu.memory_space<vmem>>) offsets(%dma_start3A_12 : memref<128xi32, #tpu.memory_space<vmem>>) semaphore(%arg12 : memref<!tpu.dma_semaphore, #tpu.memory_space<semaphore_mem>>)
    %dma_start3A_16 = arith.constant 2 : i32
    %dma_start3A_17 = arith.constant 0 : i32
    %dma_start3A_18 = tpu.memref_slice %arg5[%dma_start3A_16, %dma_start3A_17] : memref<50x128xi32, #tpu.memory_space<vmem>> -> memref<1x128xi32, #tpu.memory_space<vmem>>
    %dma_start3A_19 = tpu.memref_squeeze %dma_start3A_18 : memref<1x128xi32, #tpu.memory_space<vmem>> -> memref<128xi32, #tpu.memory_space<vmem>>
    %dma_start3A_20 = arith.constant 0 : i32
    %dma_start3A_21 = arith.constant 0 : i32
    %dma_start3A_22 = tpu.memref_slice %arg3[%dma_start3A_20, %dma_start3A_21] : memref<100000x128xf32, #tpu.memory_space<hbm>> -> memref<100000x128xf32, #tpu.memory_space<hbm>>
    tpu.enqueue_indirect_dma source(%dma_start3A_22 : memref<100000x128xf32, #tpu.memory_space<hbm>>) target(%arg8 : memref<128x128xf32, #tpu.memory_space<vmem>>) offsets(%dma_start3A_19 : memref<128xi32, #tpu.memory_space<vmem>>) semaphore(%arg13 : memref<!tpu.dma_semaphore, #tpu.memory_space<semaphore_mem>>)
    %dma_start3A_23 = arith.constant 3 : i32
    %dma_start3A_24 = arith.constant 0 : i32
    %dma_start3A_25 = tpu.memref_slice %arg5[%dma_start3A_23, %dma_start3A_24] : memref<50x128xi32, #tpu.memory_space<vmem>> -> memref<1x128xi32, #tpu.memory_space<vmem>>
    %dma_start3A_26 = tpu.memref_squeeze %dma_start3A_25 : memref<1x128xi32, #tpu.memory_space<vmem>> -> memref<128xi32, #tpu.memory_space<vmem>>
    %dma_start3A_27 = arith.constant 0 : i32
    %dma_start3A_28 = arith.constant 0 : i32
    %dma_start3A_29 = tpu.memref_slice %arg3[%dma_start3A_27, %dma_start3A_28] : memref<100000x128xf32, #tpu.memory_space<hbm>> -> memref<100000x128xf32, #tpu.memory_space<hbm>>
    tpu.enqueue_indirect_dma source(%dma_start3A_29 : memref<100000x128xf32, #tpu.memory_space<hbm>>) target(%arg9 : memref<128x128xf32, #tpu.memory_space<vmem>>) offsets(%dma_start3A_26 : memref<128xi32, #tpu.memory_space<vmem>>) semaphore(%arg14 : memref<!tpu.dma_semaphore, #tpu.memory_space<semaphore_mem>>)
    %dma_start3A_30 = arith.constant 4 : i32
    %dma_start3A_31 = arith.constant 0 : i32
    %dma_start3A_32 = tpu.memref_slice %arg5[%dma_start3A_30, %dma_start3A_31] : memref<50x128xi32, #tpu.memory_space<vmem>> -> memref<1x128xi32, #tpu.memory_space<vmem>>
    %dma_start3A_33 = tpu.memref_squeeze %dma_start3A_32 : memref<1x128xi32, #tpu.memory_space<vmem>> -> memref<128xi32, #tpu.memory_space<vmem>>
    %dma_start3A_34 = arith.constant 0 : i32
    %dma_start3A_35 = arith.constant 0 : i32
    %dma_start3A_36 = tpu.memref_slice %arg3[%dma_start3A_34, %dma_start3A_35] : memref<100000x128xf32, #tpu.memory_space<hbm>> -> memref<100000x128xf32, #tpu.memory_space<hbm>>
    tpu.enqueue_indirect_dma source(%dma_start3A_36 : memref<100000x128xf32, #tpu.memory_space<hbm>>) target(%arg10 : memref<128x128xf32, #tpu.memory_space<vmem>>) offsets(%dma_start3A_33 : memref<128xi32, #tpu.memory_space<vmem>>) semaphore(%arg15 : memref<!tpu.dma_semaphore, #tpu.memory_space<semaphore_mem>>)
    %scan3A = arith.constant 0 : i32
    %scan3A_37 = arith.constant 0 : i32
    %scan3A_38 = arith.constant 10 : i32
    %scan3A_39 = arith.addi %scan3A_37, %scan3A_38 : i32
    %scan3A_40 = arith.constant 1 : i32
    %scan3A_41 = scf.for %scan3A_72 = %scan3A_37 to %scan3A_39 step %scan3A_40 iter_args(%scan3A_73 = %scan3A) -> (i32)  : i32 {
      %mul3A_74 = arith.constant 5 : i32
      %mul3A_75 = arith.muli %scan3A_72, %mul3A_74 : i32
      %add3A_76 = arith.constant 0 : i32
      %add3A_77 = arith.addi %mul3A_75, %add3A_76 : i32
      %dma_wait3A_78 = arith.constant 0 : i32
      %dma_wait3A_79 = tpu.memref_slice %arg5[%add3A_77, %dma_wait3A_78] : memref<50x128xi32, #tpu.memory_space<vmem>> -> memref<1x128xi32, #tpu.memory_space<vmem>>
      %dma_wait3A_80 = tpu.memref_squeeze %dma_wait3A_79 : memref<1x128xi32, #tpu.memory_space<vmem>> -> memref<128xi32, #tpu.memory_space<vmem>>
      %dma_wait3A_81 = arith.constant 0 : i32
      %dma_wait3A_82 = arith.constant 0 : i32
      %dma_wait3A_83 = tpu.memref_slice %arg3[%dma_wait3A_81, %dma_wait3A_82] : memref<100000x128xf32, #tpu.memory_space<hbm>> -> memref<100000x128xf32, #tpu.memory_space<hbm>>
      tpu.wait_indirect_dma semaphore(%arg11 : memref<!tpu.dma_semaphore, #tpu.memory_space<semaphore_mem>>) src(%dma_wait3A_83 : memref<100000x128xf32, #tpu.memory_space<hbm>>) dst(%arg6 : memref<128x128xf32, #tpu.memory_space<vmem>>)
      %mul3A_84 = arith.constant 128 : i32
      %mul3A_85 = arith.muli %add3A_77, %mul3A_84 : i32
      %add3A_86 = arith.addi %mul3A_2, %mul3A_85 : i32
      %dma_start3A_87 = arith.constant 0 : i32
      %dma_start3A_88 = tpu.memref_slice %arg4[%add3A_86, %dma_start3A_87] : memref<204800x128xf32, #tpu.memory_space<hbm>> -> memref<128x128xf32, #tpu.memory_space<hbm>>
      %dma_start3A_89 = arith.constant 0 : i32
      %dma_start3A_90 = tpu.memref_slice %arg4[%add3A_86, %dma_start3A_89] : memref<204800x128xf32, #tpu.memory_space<hbm>> -> memref<128x128xf32, #tpu.memory_space<hbm>>
      tpu.enqueue_dma source(%arg6 : memref<128x128xf32, #tpu.memory_space<vmem>>) target(%dma_start3A_90 : memref<128x128xf32, #tpu.memory_space<hbm>>) target_semaphore(%arg16 : memref<!tpu.dma_semaphore, #tpu.memory_space<semaphore_mem>>)
      %lt3A = arith.constant 9 : i32
      %lt3A_91 = arith.cmpi slt, %scan3A_72, %lt3A : i32
      %convert_element_type3A = arith.extui %lt3A_91 : i1 to i32
      %cond3A = arith.constant 0 : i32
      %cond3A_92 = arith.cmpi ne, %convert_element_type3A, %cond3A : i32
      scf.if %cond3A_92 {
        %dma_wait3A_182 = arith.constant 0 : i32
        %dma_wait3A_183 = tpu.memref_slice %arg4[%add3A_86, %dma_wait3A_182] : memref<204800x128xf32, #tpu.memory_space<hbm>> -> memref<128x128xf32, #tpu.memory_space<hbm>>
        %dma_wait3A_184 = arith.constant 0 : i32
        %dma_wait3A_185 = tpu.memref_slice %arg4[%add3A_86, %dma_wait3A_184] : memref<204800x128xf32, #tpu.memory_space<hbm>> -> memref<128x128xf32, #tpu.memory_space<hbm>>
        tpu.wait_dma2 semaphore(%arg16 : memref<!tpu.dma_semaphore, #tpu.memory_space<semaphore_mem>>) src(%arg6 : memref<128x128xf32, #tpu.memory_space<vmem>>) dst(%dma_wait3A_185 : memref<128x128xf32, #tpu.memory_space<hbm>>)
        %add3A_186 = arith.constant 5 : i32
        %add3A_187 = arith.addi %add3A_77, %add3A_186 : i32
        %dma_start3A_188 = arith.constant 0 : i32
        %dma_start3A_189 = tpu.memref_slice %arg5[%add3A_187, %dma_start3A_188] : memref<50x128xi32, #tpu.memory_space<vmem>> -> memref<1x128xi32, #tpu.memory_space<vmem>>
        %dma_start3A_190 = tpu.memref_squeeze %dma_start3A_189 : memref<1x128xi32, #tpu.memory_space<vmem>> -> memref<128xi32, #tpu.memory_space<vmem>>
        %dma_start3A_191 = arith.constant 0 : i32
        %dma_start3A_192 = arith.constant 0 : i32
        %dma_start3A_193 = tpu.memref_slice %arg3[%dma_start3A_191, %dma_start3A_192] : memref<100000x128xf32, #tpu.memory_space<hbm>> -> memref<100000x128xf32, #tpu.memory_space<hbm>>
        tpu.enqueue_indirect_dma source(%dma_start3A_193 : memref<100000x128xf32, #tpu.memory_space<hbm>>) target(%arg6 : memref<128x128xf32, #tpu.memory_space<vmem>>) offsets(%dma_start3A_190 : memref<128xi32, #tpu.memory_space<vmem>>) semaphore(%arg11 : memref<!tpu.dma_semaphore, #tpu.memory_space<semaphore_mem>>)
      } else {
      }
      %mul3A_93 = arith.constant 5 : i32
      %mul3A_94 = arith.muli %scan3A_72, %mul3A_93 : i32
      %add3A_95 = arith.constant 1 : i32
      %add3A_96 = arith.addi %mul3A_94, %add3A_95 : i32
      %dma_wait3A_97 = arith.constant 0 : i32
      %dma_wait3A_98 = tpu.memref_slice %arg5[%add3A_96, %dma_wait3A_97] : memref<50x128xi32, #tpu.memory_space<vmem>> -> memref<1x128xi32, #tpu.memory_space<vmem>>
      %dma_wait3A_99 = tpu.memref_squeeze %dma_wait3A_98 : memref<1x128xi32, #tpu.memory_space<vmem>> -> memref<128xi32, #tpu.memory_space<vmem>>
      %dma_wait3A_100 = arith.constant 0 : i32
      %dma_wait3A_101 = arith.constant 0 : i32
      %dma_wait3A_102 = tpu.memref_slice %arg3[%dma_wait3A_100, %dma_wait3A_101] : memref<100000x128xf32, #tpu.memory_space<hbm>> -> memref<100000x128xf32, #tpu.memory_space<hbm>>
      tpu.wait_indirect_dma semaphore(%arg12 : memref<!tpu.dma_semaphore, #tpu.memory_space<semaphore_mem>>) src(%dma_wait3A_102 : memref<100000x128xf32, #tpu.memory_space<hbm>>) dst(%arg7 : memref<128x128xf32, #tpu.memory_space<vmem>>)
      %mul3A_103 = arith.constant 128 : i32
      %mul3A_104 = arith.muli %add3A_96, %mul3A_103 : i32
      %add3A_105 = arith.addi %mul3A_2, %mul3A_104 : i32
      %dma_start3A_106 = arith.constant 0 : i32
      %dma_start3A_107 = tpu.memref_slice %arg4[%add3A_105, %dma_start3A_106] : memref<204800x128xf32, #tpu.memory_space<hbm>> -> memref<128x128xf32, #tpu.memory_space<hbm>>
      %dma_start3A_108 = arith.constant 0 : i32
      %dma_start3A_109 = tpu.memref_slice %arg4[%add3A_105, %dma_start3A_108] : memref<204800x128xf32, #tpu.memory_space<hbm>> -> memref<128x128xf32, #tpu.memory_space<hbm>>
      tpu.enqueue_dma source(%arg7 : memref<128x128xf32, #tpu.memory_space<vmem>>) target(%dma_start3A_109 : memref<128x128xf32, #tpu.memory_space<hbm>>) target_semaphore(%arg17 : memref<!tpu.dma_semaphore, #tpu.memory_space<semaphore_mem>>)
      %lt3A_110 = arith.constant 9 : i32
      %lt3A_111 = arith.cmpi slt, %scan3A_72, %lt3A_110 : i32
      %convert_element_type3A_112 = arith.extui %lt3A_111 : i1 to i32
      %cond3A_113 = arith.constant 0 : i32
      %cond3A_114 = arith.cmpi ne, %convert_element_type3A_112, %cond3A_113 : i32
      scf.if %cond3A_114 {
        %dma_wait3A_182 = arith.constant 0 : i32
        %dma_wait3A_183 = tpu.memref_slice %arg4[%add3A_105, %dma_wait3A_182] : memref<204800x128xf32, #tpu.memory_space<hbm>> -> memref<128x128xf32, #tpu.memory_space<hbm>>
        %dma_wait3A_184 = arith.constant 0 : i32
        %dma_wait3A_185 = tpu.memref_slice %arg4[%add3A_105, %dma_wait3A_184] : memref<204800x128xf32, #tpu.memory_space<hbm>> -> memref<128x128xf32, #tpu.memory_space<hbm>>
        tpu.wait_dma2 semaphore(%arg17 : memref<!tpu.dma_semaphore, #tpu.memory_space<semaphore_mem>>) src(%arg7 : memref<128x128xf32, #tpu.memory_space<vmem>>) dst(%dma_wait3A_185 : memref<128x128xf32, #tpu.memory_space<hbm>>)
        %add3A_186 = arith.constant 5 : i32
        %add3A_187 = arith.addi %add3A_96, %add3A_186 : i32
        %dma_start3A_188 = arith.constant 0 : i32
        %dma_start3A_189 = tpu.memref_slice %arg5[%add3A_187, %dma_start3A_188] : memref<50x128xi32, #tpu.memory_space<vmem>> -> memref<1x128xi32, #tpu.memory_space<vmem>>
        %dma_start3A_190 = tpu.memref_squeeze %dma_start3A_189 : memref<1x128xi32, #tpu.memory_space<vmem>> -> memref<128xi32, #tpu.memory_space<vmem>>
        %dma_start3A_191 = arith.constant 0 : i32
        %dma_start3A_192 = arith.constant 0 : i32
        %dma_start3A_193 = tpu.memref_slice %arg3[%dma_start3A_191, %dma_start3A_192] : memref<100000x128xf32, #tpu.memory_space<hbm>> -> memref<100000x128xf32, #tpu.memory_space<hbm>>
        tpu.enqueue_indirect_dma source(%dma_start3A_193 : memref<100000x128xf32, #tpu.memory_space<hbm>>) target(%arg7 : memref<128x128xf32, #tpu.memory_space<vmem>>) offsets(%dma_start3A_190 : memref<128xi32, #tpu.memory_space<vmem>>) semaphore(%arg12 : memref<!tpu.dma_semaphore, #tpu.memory_space<semaphore_mem>>)
      } else {
      }
      %mul3A_115 = arith.constant 5 : i32
      %mul3A_116 = arith.muli %scan3A_72, %mul3A_115 : i32
      %add3A_117 = arith.constant 2 : i32
      %add3A_118 = arith.addi %mul3A_116, %add3A_117 : i32
      %dma_wait3A_119 = arith.constant 0 : i32
      %dma_wait3A_120 = tpu.memref_slice %arg5[%add3A_118, %dma_wait3A_119] : memref<50x128xi32, #tpu.memory_space<vmem>> -> memref<1x128xi32, #tpu.memory_space<vmem>>
      %dma_wait3A_121 = tpu.memref_squeeze %dma_wait3A_120 : memref<1x128xi32, #tpu.memory_space<vmem>> -> memref<128xi32, #tpu.memory_space<vmem>>
      %dma_wait3A_122 = arith.constant 0 : i32
      %dma_wait3A_123 = arith.constant 0 : i32
      %dma_wait3A_124 = tpu.memref_slice %arg3[%dma_wait3A_122, %dma_wait3A_123] : memref<100000x128xf32, #tpu.memory_space<hbm>> -> memref<100000x128xf32, #tpu.memory_space<hbm>>
      tpu.wait_indirect_dma semaphore(%arg13 : memref<!tpu.dma_semaphore, #tpu.memory_space<semaphore_mem>>) src(%dma_wait3A_124 : memref<100000x128xf32, #tpu.memory_space<hbm>>) dst(%arg8 : memref<128x128xf32, #tpu.memory_space<vmem>>)
      %mul3A_125 = arith.constant 128 : i32
      %mul3A_126 = arith.muli %add3A_118, %mul3A_125 : i32
      %add3A_127 = arith.addi %mul3A_2, %mul3A_126 : i32
      %dma_start3A_128 = arith.constant 0 : i32
      %dma_start3A_129 = tpu.memref_slice %arg4[%add3A_127, %dma_start3A_128] : memref<204800x128xf32, #tpu.memory_space<hbm>> -> memref<128x128xf32, #tpu.memory_space<hbm>>
      %dma_start3A_130 = arith.constant 0 : i32
      %dma_start3A_131 = tpu.memref_slice %arg4[%add3A_127, %dma_start3A_130] : memref<204800x128xf32, #tpu.memory_space<hbm>> -> memref<128x128xf32, #tpu.memory_space<hbm>>
      tpu.enqueue_dma source(%arg8 : memref<128x128xf32, #tpu.memory_space<vmem>>) target(%dma_start3A_131 : memref<128x128xf32, #tpu.memory_space<hbm>>) target_semaphore(%arg18 : memref<!tpu.dma_semaphore, #tpu.memory_space<semaphore_mem>>)
      %lt3A_132 = arith.constant 9 : i32
      %lt3A_133 = arith.cmpi slt, %scan3A_72, %lt3A_132 : i32
      %convert_element_type3A_134 = arith.extui %lt3A_133 : i1 to i32
      %cond3A_135 = arith.constant 0 : i32
      %cond3A_136 = arith.cmpi ne, %convert_element_type3A_134, %cond3A_135 : i32
      scf.if %cond3A_136 {
        %dma_wait3A_182 = arith.constant 0 : i32
        %dma_wait3A_183 = tpu.memref_slice %arg4[%add3A_127, %dma_wait3A_182] : memref<204800x128xf32, #tpu.memory_space<hbm>> -> memref<128x128xf32, #tpu.memory_space<hbm>>
        %dma_wait3A_184 = arith.constant 0 : i32
        %dma_wait3A_185 = tpu.memref_slice %arg4[%add3A_127, %dma_wait3A_184] : memref<204800x128xf32, #tpu.memory_space<hbm>> -> memref<128x128xf32, #tpu.memory_space<hbm>>
        tpu.wait_dma2 semaphore(%arg18 : memref<!tpu.dma_semaphore, #tpu.memory_space<semaphore_mem>>) src(%arg8 : memref<128x128xf32, #tpu.memory_space<vmem>>) dst(%dma_wait3A_185 : memref<128x128xf32, #tpu.memory_space<hbm>>)
        %add3A_186 = arith.constant 5 : i32
        %add3A_187 = arith.addi %add3A_118, %add3A_186 : i32
        %dma_start3A_188 = arith.constant 0 : i32
        %dma_start3A_189 = tpu.memref_slice %arg5[%add3A_187, %dma_start3A_188] : memref<50x128xi32, #tpu.memory_space<vmem>> -> memref<1x128xi32, #tpu.memory_space<vmem>>
        %dma_start3A_190 = tpu.memref_squeeze %dma_start3A_189 : memref<1x128xi32, #tpu.memory_space<vmem>> -> memref<128xi32, #tpu.memory_space<vmem>>
        %dma_start3A_191 = arith.constant 0 : i32
        %dma_start3A_192 = arith.constant 0 : i32
        %dma_start3A_193 = tpu.memref_slice %arg3[%dma_start3A_191, %dma_start3A_192] : memref<100000x128xf32, #tpu.memory_space<hbm>> -> memref<100000x128xf32, #tpu.memory_space<hbm>>
        tpu.enqueue_indirect_dma source(%dma_start3A_193 : memref<100000x128xf32, #tpu.memory_space<hbm>>) target(%arg8 : memref<128x128xf32, #tpu.memory_space<vmem>>) offsets(%dma_start3A_190 : memref<128xi32, #tpu.memory_space<vmem>>) semaphore(%arg13 : memref<!tpu.dma_semaphore, #tpu.memory_space<semaphore_mem>>)
      } else {
      }
      %mul3A_137 = arith.constant 5 : i32
      %mul3A_138 = arith.muli %scan3A_72, %mul3A_137 : i32
      %add3A_139 = arith.constant 3 : i32
      %add3A_140 = arith.addi %mul3A_138, %add3A_139 : i32
      %dma_wait3A_141 = arith.constant 0 : i32
      %dma_wait3A_142 = tpu.memref_slice %arg5[%add3A_140, %dma_wait3A_141] : memref<50x128xi32, #tpu.memory_space<vmem>> -> memref<1x128xi32, #tpu.memory_space<vmem>>
      %dma_wait3A_143 = tpu.memref_squeeze %dma_wait3A_142 : memref<1x128xi32, #tpu.memory_space<vmem>> -> memref<128xi32, #tpu.memory_space<vmem>>
      %dma_wait3A_144 = arith.constant 0 : i32
      %dma_wait3A_145 = arith.constant 0 : i32
      %dma_wait3A_146 = tpu.memref_slice %arg3[%dma_wait3A_144, %dma_wait3A_145] : memref<100000x128xf32, #tpu.memory_space<hbm>> -> memref<100000x128xf32, #tpu.memory_space<hbm>>
      tpu.wait_indirect_dma semaphore(%arg14 : memref<!tpu.dma_semaphore, #tpu.memory_space<semaphore_mem>>) src(%dma_wait3A_146 : memref<100000x128xf32, #tpu.memory_space<hbm>>) dst(%arg9 : memref<128x128xf32, #tpu.memory_space<vmem>>)
      %mul3A_147 = arith.constant 128 : i32
      %mul3A_148 = arith.muli %add3A_140, %mul3A_147 : i32
      %add3A_149 = arith.addi %mul3A_2, %mul3A_148 : i32
      %dma_start3A_150 = arith.constant 0 : i32
      %dma_start3A_151 = tpu.memref_slice %arg4[%add3A_149, %dma_start3A_150] : memref<204800x128xf32, #tpu.memory_space<hbm>> -> memref<128x128xf32, #tpu.memory_space<hbm>>
      %dma_start3A_152 = arith.constant 0 : i32
      %dma_start3A_153 = tpu.memref_slice %arg4[%add3A_149, %dma_start3A_152] : memref<204800x128xf32, #tpu.memory_space<hbm>> -> memref<128x128xf32, #tpu.memory_space<hbm>>
      tpu.enqueue_dma source(%arg9 : memref<128x128xf32, #tpu.memory_space<vmem>>) target(%dma_start3A_153 : memref<128x128xf32, #tpu.memory_space<hbm>>) target_semaphore(%arg19 : memref<!tpu.dma_semaphore, #tpu.memory_space<semaphore_mem>>)
      %lt3A_154 = arith.constant 9 : i32
      %lt3A_155 = arith.cmpi slt, %scan3A_72, %lt3A_154 : i32
      %convert_element_type3A_156 = arith.extui %lt3A_155 : i1 to i32
      %cond3A_157 = arith.constant 0 : i32
      %cond3A_158 = arith.cmpi ne, %convert_element_type3A_156, %cond3A_157 : i32
      scf.if %cond3A_158 {
        %dma_wait3A_182 = arith.constant 0 : i32
        %dma_wait3A_183 = tpu.memref_slice %arg4[%add3A_149, %dma_wait3A_182] : memref<204800x128xf32, #tpu.memory_space<hbm>> -> memref<128x128xf32, #tpu.memory_space<hbm>>
        %dma_wait3A_184 = arith.constant 0 : i32
        %dma_wait3A_185 = tpu.memref_slice %arg4[%add3A_149, %dma_wait3A_184] : memref<204800x128xf32, #tpu.memory_space<hbm>> -> memref<128x128xf32, #tpu.memory_space<hbm>>
        tpu.wait_dma2 semaphore(%arg19 : memref<!tpu.dma_semaphore, #tpu.memory_space<semaphore_mem>>) src(%arg9 : memref<128x128xf32, #tpu.memory_space<vmem>>) dst(%dma_wait3A_185 : memref<128x128xf32, #tpu.memory_space<hbm>>)
        %add3A_186 = arith.constant 5 : i32
        %add3A_187 = arith.addi %add3A_140, %add3A_186 : i32
        %dma_start3A_188 = arith.constant 0 : i32
        %dma_start3A_189 = tpu.memref_slice %arg5[%add3A_187, %dma_start3A_188] : memref<50x128xi32, #tpu.memory_space<vmem>> -> memref<1x128xi32, #tpu.memory_space<vmem>>
        %dma_start3A_190 = tpu.memref_squeeze %dma_start3A_189 : memref<1x128xi32, #tpu.memory_space<vmem>> -> memref<128xi32, #tpu.memory_space<vmem>>
        %dma_start3A_191 = arith.constant 0 : i32
        %dma_start3A_192 = arith.constant 0 : i32
        %dma_start3A_193 = tpu.memref_slice %arg3[%dma_start3A_191, %dma_start3A_192] : memref<100000x128xf32, #tpu.memory_space<hbm>> -> memref<100000x128xf32, #tpu.memory_space<hbm>>
        tpu.enqueue_indirect_dma source(%dma_start3A_193 : memref<100000x128xf32, #tpu.memory_space<hbm>>) target(%arg9 : memref<128x128xf32, #tpu.memory_space<vmem>>) offsets(%dma_start3A_190 : memref<128xi32, #tpu.memory_space<vmem>>) semaphore(%arg14 : memref<!tpu.dma_semaphore, #tpu.memory_space<semaphore_mem>>)
      } else {
      }
      %mul3A_159 = arith.constant 5 : i32
      %mul3A_160 = arith.muli %scan3A_72, %mul3A_159 : i32
      %add3A_161 = arith.constant 4 : i32
      %add3A_162 = arith.addi %mul3A_160, %add3A_161 : i32
      %dma_wait3A_163 = arith.constant 0 : i32
      %dma_wait3A_164 = tpu.memref_slice %arg5[%add3A_162, %dma_wait3A_163] : memref<50x128xi32, #tpu.memory_space<vmem>> -> memref<1x128xi32, #tpu.memory_space<vmem>>
      %dma_wait3A_165 = tpu.memref_squeeze %dma_wait3A_164 : memref<1x128xi32, #tpu.memory_space<vmem>> -> memref<128xi32, #tpu.memory_space<vmem>>
      %dma_wait3A_166 = arith.constant 0 : i32
      %dma_wait3A_167 = arith.constant 0 : i32
      %dma_wait3A_168 = tpu.memref_slice %arg3[%dma_wait3A_166, %dma_wait3A_167] : memref<100000x128xf32, #tpu.memory_space<hbm>> -> memref<100000x128xf32, #tpu.memory_space<hbm>>
      tpu.wait_indirect_dma semaphore(%arg15 : memref<!tpu.dma_semaphore, #tpu.memory_space<semaphore_mem>>) src(%dma_wait3A_168 : memref<100000x128xf32, #tpu.memory_space<hbm>>) dst(%arg10 : memref<128x128xf32, #tpu.memory_space<vmem>>)
      %mul3A_169 = arith.constant 128 : i32
      %mul3A_170 = arith.muli %add3A_162, %mul3A_169 : i32
      %add3A_171 = arith.addi %mul3A_2, %mul3A_170 : i32
      %dma_start3A_172 = arith.constant 0 : i32
      %dma_start3A_173 = tpu.memref_slice %arg4[%add3A_171, %dma_start3A_172] : memref<204800x128xf32, #tpu.memory_space<hbm>> -> memref<128x128xf32, #tpu.memory_space<hbm>>
      %dma_start3A_174 = arith.constant 0 : i32
      %dma_start3A_175 = tpu.memref_slice %arg4[%add3A_171, %dma_start3A_174] : memref<204800x128xf32, #tpu.memory_space<hbm>> -> memref<128x128xf32, #tpu.memory_space<hbm>>
      tpu.enqueue_dma source(%arg10 : memref<128x128xf32, #tpu.memory_space<vmem>>) target(%dma_start3A_175 : memref<128x128xf32, #tpu.memory_space<hbm>>) target_semaphore(%arg20 : memref<!tpu.dma_semaphore, #tpu.memory_space<semaphore_mem>>)
      %lt3A_176 = arith.constant 9 : i32
      %lt3A_177 = arith.cmpi slt, %scan3A_72, %lt3A_176 : i32
      %convert_element_type3A_178 = arith.extui %lt3A_177 : i1 to i32
      %cond3A_179 = arith.constant 0 : i32
      %cond3A_180 = arith.cmpi ne, %convert_element_type3A_178, %cond3A_179 : i32
      scf.if %cond3A_180 {
        %dma_wait3A_182 = arith.constant 0 : i32
        %dma_wait3A_183 = tpu.memref_slice %arg4[%add3A_171, %dma_wait3A_182] : memref<204800x128xf32, #tpu.memory_space<hbm>> -> memref<128x128xf32, #tpu.memory_space<hbm>>
        %dma_wait3A_184 = arith.constant 0 : i32
        %dma_wait3A_185 = tpu.memref_slice %arg4[%add3A_171, %dma_wait3A_184] : memref<204800x128xf32, #tpu.memory_space<hbm>> -> memref<128x128xf32, #tpu.memory_space<hbm>>
        tpu.wait_dma2 semaphore(%arg20 : memref<!tpu.dma_semaphore, #tpu.memory_space<semaphore_mem>>) src(%arg10 : memref<128x128xf32, #tpu.memory_space<vmem>>) dst(%dma_wait3A_185 : memref<128x128xf32, #tpu.memory_space<hbm>>)
        %add3A_186 = arith.constant 5 : i32
        %add3A_187 = arith.addi %add3A_162, %add3A_186 : i32
        %dma_start3A_188 = arith.constant 0 : i32
        %dma_start3A_189 = tpu.memref_slice %arg5[%add3A_187, %dma_start3A_188] : memref<50x128xi32, #tpu.memory_space<vmem>> -> memref<1x128xi32, #tpu.memory_space<vmem>>
        %dma_start3A_190 = tpu.memref_squeeze %dma_start3A_189 : memref<1x128xi32, #tpu.memory_space<vmem>> -> memref<128xi32, #tpu.memory_space<vmem>>
        %dma_start3A_191 = arith.constant 0 : i32
        %dma_start3A_192 = arith.constant 0 : i32
        %dma_start3A_193 = tpu.memref_slice %arg3[%dma_start3A_191, %dma_start3A_192] : memref<100000x128xf32, #tpu.memory_space<hbm>> -> memref<100000x128xf32, #tpu.memory_space<hbm>>
        tpu.enqueue_indirect_dma source(%dma_start3A_193 : memref<100000x128xf32, #tpu.memory_space<hbm>>) target(%arg10 : memref<128x128xf32, #tpu.memory_space<vmem>>) offsets(%dma_start3A_190 : memref<128xi32, #tpu.memory_space<vmem>>) semaphore(%arg15 : memref<!tpu.dma_semaphore, #tpu.memory_space<semaphore_mem>>)
      } else {
      }
      %scan3A_181 = arith.constant 0 : i32
      scf.yield %scan3A_181 : i32
    }
    %scan3A_42 = arith.constant 10 : i32
    %add3A_43 = arith.constant 5760 : i32
    %add3A_44 = arith.addi %mul3A_2, %add3A_43 : i32
    %dma_wait3A = arith.constant 0 : i32
    %dma_wait3A_45 = tpu.memref_slice %arg4[%add3A_44, %dma_wait3A] : memref<204800x128xf32, #tpu.memory_space<hbm>> -> memref<128x128xf32, #tpu.memory_space<hbm>>
    %dma_wait3A_46 = arith.constant 0 : i32
    %dma_wait3A_47 = tpu.memref_slice %arg4[%add3A_44, %dma_wait3A_46] : memref<204800x128xf32, #tpu.memory_space<hbm>> -> memref<128x128xf32, #tpu.memory_space<hbm>>
    tpu.wait_dma2 semaphore(%arg16 : memref<!tpu.dma_semaphore, #tpu.memory_space<semaphore_mem>>) src(%arg6 : memref<128x128xf32, #tpu.memory_space<vmem>>) dst(%dma_wait3A_47 : memref<128x128xf32, #tpu.memory_space<hbm>>)
    %add3A_48 = arith.constant 5888 : i32
    %add3A_49 = arith.addi %mul3A_2, %add3A_48 : i32
    %dma_wait3A_50 = arith.constant 0 : i32
    %dma_wait3A_51 = tpu.memref_slice %arg4[%add3A_49, %dma_wait3A_50] : memref<204800x128xf32, #tpu.memory_space<hbm>> -> memref<128x128xf32, #tpu.memory_space<hbm>>
    %dma_wait3A_52 = arith.constant 0 : i32
    %dma_wait3A_53 = tpu.memref_slice %arg4[%add3A_49, %dma_wait3A_52] : memref<204800x128xf32, #tpu.memory_space<hbm>> -> memref<128x128xf32, #tpu.memory_space<hbm>>
    tpu.wait_dma2 semaphore(%arg17 : memref<!tpu.dma_semaphore, #tpu.memory_space<semaphore_mem>>) src(%arg7 : memref<128x128xf32, #tpu.memory_space<vmem>>) dst(%dma_wait3A_53 : memref<128x128xf32, #tpu.memory_space<hbm>>)
    %add3A_54 = arith.constant 6016 : i32
    %add3A_55 = arith.addi %mul3A_2, %add3A_54 : i32
    %dma_wait3A_56 = arith.constant 0 : i32
    %dma_wait3A_57 = tpu.memref_slice %arg4[%add3A_55, %dma_wait3A_56] : memref<204800x128xf32, #tpu.memory_space<hbm>> -> memref<128x128xf32, #tpu.memory_space<hbm>>
    %dma_wait3A_58 = arith.constant 0 : i32
    %dma_wait3A_59 = tpu.memref_slice %arg4[%add3A_55, %dma_wait3A_58] : memref<204800x128xf32, #tpu.memory_space<hbm>> -> memref<128x128xf32, #tpu.memory_space<hbm>>
    tpu.wait_dma2 semaphore(%arg18 : memref<!tpu.dma_semaphore, #tpu.memory_space<semaphore_mem>>) src(%arg8 : memref<128x128xf32, #tpu.memory_space<vmem>>) dst(%dma_wait3A_59 : memref<128x128xf32, #tpu.memory_space<hbm>>)
    %add3A_60 = arith.constant 6144 : i32
    %add3A_61 = arith.addi %mul3A_2, %add3A_60 : i32
    %dma_wait3A_62 = arith.constant 0 : i32
    %dma_wait3A_63 = tpu.memref_slice %arg4[%add3A_61, %dma_wait3A_62] : memref<204800x128xf32, #tpu.memory_space<hbm>> -> memref<128x128xf32, #tpu.memory_space<hbm>>
    %dma_wait3A_64 = arith.constant 0 : i32
    %dma_wait3A_65 = tpu.memref_slice %arg4[%add3A_61, %dma_wait3A_64] : memref<204800x128xf32, #tpu.memory_space<hbm>> -> memref<128x128xf32, #tpu.memory_space<hbm>>
    tpu.wait_dma2 semaphore(%arg19 : memref<!tpu.dma_semaphore, #tpu.memory_space<semaphore_mem>>) src(%arg9 : memref<128x128xf32, #tpu.memory_space<vmem>>) dst(%dma_wait3A_65 : memref<128x128xf32, #tpu.memory_space<hbm>>)
    %add3A_66 = arith.constant 6272 : i32
    %add3A_67 = arith.addi %mul3A_2, %add3A_66 : i32
    %dma_wait3A_68 = arith.constant 0 : i32
    %dma_wait3A_69 = tpu.memref_slice %arg4[%add3A_67, %dma_wait3A_68] : memref<204800x128xf32, #tpu.memory_space<hbm>> -> memref<128x128xf32, #tpu.memory_space<hbm>>
    %dma_wait3A_70 = arith.constant 0 : i32
    %dma_wait3A_71 = tpu.memref_slice %arg4[%add3A_67, %dma_wait3A_70] : memref<204800x128xf32, #tpu.memory_space<hbm>> -> memref<128x128xf32, #tpu.memory_space<hbm>>
    tpu.wait_dma2 semaphore(%arg20 : memref<!tpu.dma_semaphore, #tpu.memory_space<semaphore_mem>>) src(%arg10 : memref<128x128xf32, #tpu.memory_space<vmem>>) dst(%dma_wait3A_71 : memref<128x128xf32, #tpu.memory_space<hbm>>)
    return
  }
}

</mosaic_0001>

<sc_bundles>
// kernel: kernel.3.cloned.1.call-start
scs
__scs_entry_jumppad:
0x0: {  	(pc) =	sbr.rel $0x88, $3  }
0x1: {  	(tag) =	ssettag $0x0;
	lr =	simm.s32 $0x1  }
0x2: {  	[smem:$0x3F9F] =	sst lr;
	_ =	strace $0xD0000000  }
0x3: {  	_ = 	snop  }
0x4: {  	_ = 	snop  }
0x5: {  	_ = 	snop  }
0x6: {  	_ = 	snop  }
0x7: {  	_ = 	snop  }
__scs_overlays_trampoline_lowered:
0x8: {  	[smem:$0x3FAE] =	sst s0  }
0x9: {  	[smem:$0x3FAF] =	sst s1  }
0xa: {  	[smem:$0x3FB0] =	sst s2  }
0xb: {  	[smem:$0x3FB1] =	sst s3  }
0xc: {  	[smem:$0x3FB2] =	sst s4  }
0xd: {  	[smem:$0x3FB3] =	sst s5  }
0xe: {  	[smem:$0x3FB4] =	sst s6  }
0xf: {  	[smem:$0x3FB5] =	sst s7  }
0x10: {  	[smem:$0x3FB6] =	sst s8  }
0x11: {  	[smem:$0x3FB7] =	sst s9;
	s0 =	simm.s32 @!p0 $0x0  }
0x12: {  	s1 =	sld [smem:$0x3F9D];
	s0 =	simm.s32 @p0 $0x1  }
0x13: {  	[smem:$0x3FB8] =	sst s0;
	s0 =	simm.s32 @!p1 $0x0  }
0x14: {  	s2 =	sld [smem:$0x3F9C];
	s0 =	simm.s32 @p1 $0x1  }
0x15: {  	[smem:$0x3FB9] =	sst s0;
	s0 =	simm.s32 @!p2 $0x0  }
0x16: {  	s3 =	sld [smem:$0x3FDB];
	s0 =	simm.s32 @p2 $0x1  }
0x17: {  	s4 =	simm.s32 $0x1BF5;
	[smem:$0x3FBB] =	sst s0  }
0x18: {  	s0 =	sld [smem:$0x3F9E];
	_ =	swait.ge [sflag:s4], $0x0  }
0x19: {  	s7 =	sld [smem:$0x3F9F]  }
0x1a: {  	s8 =	sadd.s32 $0xFFFFE003, lr  }
0x1b: {  	s9 =	sadd.s32 $0xFFFFFEF7, lr;
	s5 =	simm.s32 $0xFFFFFFFF;
	p2 =	slt.u32 s8, $0xFFFFF086  }
0x1c: {  	p1 =	slt.u32 s9, $0xF7A;
	s5 =	simm.s32 @!p2 $0x0  }
0x1d: {  	s5 =	simm.s32 @p1 $0x1;
	p0 =	seq.s32 s7, s2  }
0x1e: {  	s7 =	smul.u32 @!p0 $0xF7A, s2;
	p2 =	seq.s32 @!p0 s5, $0x0  }
0x1f: {  	s9 =	smul.u32 $0xF7A, s1;
	s8 =	simm.s32 @!p0 $0x1BF5;
	p2 =	por !p2, p0  }
0x20: {  	[sflag:s8] =	ssyncset.s32 @!p0 $0xFFFFF086;
	s6 =	sadd.s32 @!p0 s3, s7;
	s7 =	simm.s32 @!p0 $0x108  }
0x21: {  	s3 =	sadd.s32 s3, s9;
	s6 =	sadd.s32 @!p0 $0x88, s6;
	s7 =	simm.s32 @p2 $0x1082  }
0x22: {  	[simem:s7], [sflag:s8] =	dma.local @!p0 [hbm:s6], $0xF7A  }
0x23: {  	s9 =	sor.u32 $0xD0000000, s2;
	s6 =	simm.s32 $0x108;
	_ =	swait.ge @!p0 [sflag:s8], $0x0  }
0x24: {  	s3 =	sadd.s32 $0x88, s3;
	s6 =	simm.s32 @!p1 $0x1082;
	[sflag:s4] =	ssyncset.s32 $0xFFFFF086  }
0x25: {  	[simem:s6], [sflag:s4] =	dma.local [hbm:s3], $0xF7A  }
0x26: {  	[smem:$0x3F9F] =	sst s1;
	(tag) =	ssettag s2;
	_ =	strace s9  }
0x27: {  	s1 =	sld [smem:$0x3FAF]  }
0x28: {  	s2 =	sld [smem:$0x3FB0]  }
0x29: {  	s4 =	sld [smem:$0x3FB2]  }
0x2a: {  	p0 =	seq.s32 s5, $0x0;
	s5 =	sld [smem:$0x3FB3]  }
0x2b: {  	s6 =	sld [smem:$0x3FB4]  }
0x2c: {  	s7 =	sld [smem:$0x3FB5]  }
0x2d: {  	s3 =	simm.s32 $0x108;
	s8 =	sld [smem:$0x3FB6]  }
0x2e: {  	s3 =	simm.s32 @!p0 $0x1082;
	s9 =	sld [smem:$0x3FB7]  }
0x2f: {  	lr =	sadd.s32 s0, s3;
	s0 =	sld [smem:$0x3FAE]  }
0x30: {  	s3 =	sld [smem:$0x3FB1]  }
0x31: {  	[smem:$0x3FBA] =	sst s10  }
0x32: {  	s10 =	sld [smem:$0x3FB8];
	_ =	sdelay $0x3  }
0x33: {  	p0 =	seq.s32 s10, $0x1;
	s10 =	sld [smem:$0x3FBA];
	_ =	sdelay $0x3  }
0x34: {  	[smem:$0x3FBA] =	sst s10  }
0x35: {  	s10 =	sld [smem:$0x3FB9];
	_ =	sdelay $0x3  }
0x36: {  	p1 =	seq.s32 s10, $0x1;
	s10 =	sld [smem:$0x3FBA];
	_ =	sdelay $0x3  }
0x37: {  	[smem:$0x3FBA] =	sst s10  }
0x38: {  	s10 =	sld [smem:$0x3FBB]  }
0x39: {  	_ = 	snop;
	(pc) =	sbr.ind lr, $3  }
0x3a: {  	_ = 	snop  }
0x3b: {  	_ = 	snop  }
0x3c: {  	p2 =	seq.s32 s10, $0x1;
	s10 =	sld [smem:$0x3FBA]  }
0x3d: {  	_ =	shalt  }
0x3e: {  	_ =	shalt  }
0x3f: {  	_ =	shalt  }
0x40: {  	_ =	shalt  }
0x41: {  	_ =	shalt  }
0x42: {  	_ =	shalt  }
0x43: {  	_ =	shalt  }
0x44: {  	_ =	shalt  }
0x45: {  	_ =	shalt  }
0x46: {  	_ =	shalt  }
0x47: {  	_ =	shalt  }
0x48: {  	_ =	shalt  }
0x49: {  	_ =	shalt  }
0x4a: {  	_ =	shalt  }
0x4b: {  	_ =	shalt  }
0x4c: {  	_ =	shalt  }
0x4d: {  	_ =	shalt  }
0x4e: {  	_ =	shalt  }
0x4f: {  	_ =	shalt  }
0x50: {  	_ =	shalt  }
0x51: {  	_ =	shalt  }
0x52: {  	_ =	shalt  }
0x53: {  	_ =	shalt  }
0x54: {  	_ =	shalt  }
0x55: {  	_ =	shalt  }
0x56: {  	_ =	shalt  }
0x57: {  	_ =	shalt  }
0x58: {  	_ =	shalt  }
0x59: {  	_ =	shalt  }
0x5a: {  	_ =	shalt  }
0x5b: {  	_ =	shalt  }
0x5c: {  	_ =	shalt  }
0x5d: {  	_ =	shalt  }
0x5e: {  	_ =	shalt  }
0x5f: {  	_ =	shalt  }
0x60: {  	_ =	shalt  }
0x61: {  	_ =	shalt  }
0x62: {  	_ =	shalt  }
0x63: {  	_ =	shalt  }
0x64: {  	_ =	shalt  }
0x65: {  	_ =	shalt  }
0x66: {  	_ =	shalt  }
0x67: {  	_ =	shalt  }
0x68: {  	_ =	shalt  }
0x69: {  	_ =	shalt  }
0x6a: {  	_ =	shalt  }
0x6b: {  	_ =	shalt  }
0x6c: {  	_ =	shalt  }
0x6d: {  	_ =	shalt  }
0x6e: {  	_ =	shalt  }
0x6f: {  	_ =	shalt  }
0x70: {  	_ =	shalt  }
0x71: {  	_ =	shalt  }
0x72: {  	_ =	shalt  }
0x73: {  	_ =	shalt  }
0x74: {  	_ =	shalt  }
0x75: {  	_ =	shalt  }
0x76: {  	_ =	shalt  }
0x77: {  	_ =	shalt  }
0x78: {  	_ =	shalt  }
0x79: {  	_ =	shalt  }
0x7a: {  	_ =	shalt  }
0x7b: {  	_ =	shalt  }
0x7c: {  	_ =	shalt  }
0x7d: {  	_ =	shalt  }
0x7e: {  	_ =	shalt  }
0x7f: {  	_ =	shalt  }
0x80: {  	_ =	shalt  }
0x81: {  	_ =	shalt  }
0x82: {  	_ =	shalt  }
0x83: {  	_ =	shalt  }
0x84: {  	_ =	shalt  }
0x85: {  	_ =	shalt  }
0x86: {  	_ =	shalt  }
0x87: {  	_ =	shalt  }
.Lfunc_end0:
.L_simem_size_0:
called_computation_lowered:
.L_overlay_start_0:
0x88: {  	s2 =	sld [smem:$0x3FD9]  }
0x89: {  	s3 =	sld [smem:$0x3FFE];
	_ =	sdelay $0x1  }
0x8a: {  	s1 =	srdreg.scid  }
0x8b: {  	s0 =	sand.u32 $0x1, s1  }
0x8c: {  	s17 =	sshll.u32 s0, $0xA;
	s2 =	sadd.s32 s3, s2  }
0x8d: {  	s2 =	sadd.s32 s2, s17  }
0x8e: {  	[smem:$0x3FC6] =	sst s2  }
0x8f: {  	_ = 	snop  }
0x90: {  	s2 =	sld [smem:$0x3FC8]  }
0x91: {  	s18 =	sld [smem:$0x3FD0];
	(tm) =	ssettm $0x1  }
0x92: {  	s4 =	sld [smem:$0x3FFB];
	_ =	sdelay $0x3  }
0x93: {  	_ =	strace s4  }
0x94: {  	s4 =	sld [smem:$0x3FFC];
	_ =	sdelay $0x3  }
0x95: {  	_ =	strace s4  }
0x96: {  	s4 =	sld [smem:$0x3FFD];
	_ =	sdelay $0x3  }
0x97: {  	_ =	strace s4  }
0x98: {  	_ =	strace $0x8FFFFFFF  }
0x99: {  	s19 =	sld [smem:$0x3FDB];
	_ =	sdelay $0x1  }
0x9a: {  	s5 =	simm.s32 $_scs_section_size  }
0x9b: {  	s6 =	simm.s32 $_size__tile_overlayer_lowered;
	s7 =	simm.s32 $_tile_overlayer_lowered  }
0x9c: {  	s22 =	simm.s32 $0x1BFF;
	s21 =	sshll.u32 s7, $0x1;
	s4 =	sadd.s32 s5, s19  }
0x9d: {  	s8 =	simm.s32 $0x0;
	s20 =	sshll.u32 s6, $0x1;
	s6 =	sadd.s32 s21, s4  }
0x9e: {  	[timem:s8], [sflag:s22] =	dma.local [hbm:s6], s20  }
0x9f: {  	_ =	swait.ge [sflag:s22], s20  }
0xa0: {  	s5 =	ssub.s32 $0x0, s20;
	[sflag:s22] =	ssyncset.done $0x0  }
0xa1: {  	[sflag:s22] =	ssyncadd.s32 s5;
	_ =	sdelay $0x1  }
0xa2: {  	s23 =	simm.s32 $0x1B8B  }
0xa3: {  	_ =	swait.ge [sflag:s23], $0x1  }
0xa4: {  	[sflag:s23] =	ssyncset.done $0x0  }
0xa5: {  	s25 =	simm.s32 $0x1B8E;
	s24 =	sld [smem:$0x3FFE];
	[sflag:s23] =	ssyncadd.s32 $0xFFFFFFFF  }
0xa6: {  	s26 =	simm.s32 $execute0_lowered;
	[smem:$0x3FD2] =	sst s25  }
0xa7: {  	s6 =	sshll.u32 s26, $0x1;
	_ =	strace $0x80000046;
	[dreg:$0x1] =	wrdreg $0xFFFFFFFF  }
0xa8: {  	s28 =	simm.s32 $_size_execute0_lowered;
	s4 =	sadd.s32 s4, s6;
	[dreg:$0x0] =	wrdreg $0x0  }
0xa9: {  	s6 =	sshll.u32 s28, $0x1;
	[dreg:$0x2] =	wrdreg s4  }
0xaa: {  	[dreg:$0x3] =	wrdreg s6  }
0xab: {  	[dreg:$0x4] =	wrdreg $0xC0  }
0xac: {  	_ =	task [dreg:s8], $0x5FFFF  }
0xad: {  	[dreg:$0x1] =	wrdreg $0xFFFFFFFF  }
0xae: {  	[dreg:$0x0] =	wrdreg $0x60  }
0xaf: {  	[dreg:$0x2] =	wrdreg s24  }
0xb0: {  	[dreg:$0x3] =	wrdreg s2  }
0xb1: {  	[dreg:$0x4] =	wrdreg s18  }
0xb2: {  	[dreg:$0x5] =	wrdreg $0x9  }
0xb3: {  	_ =	task.clear_ibuf [dreg:s8], $0x6FFFF;
	_ =	strace $0x90000046  }
0xb4: {  	s29 =	simm.s32 $0x9;
	_ =	strace $0x80000048  }
0xb5: {  	_ =	swait.ge [sflag:s29], $0x1  }
0xb6: {  	[sflag:s29] =	ssyncadd.s32 $0xFFFFFFFF  }
0xb7: {  	_ =	strace $0x90000048  }
0xb8: {  	_ =	sfence  }
0xb9: {  	s30 =	sld [smem:$0x0];
	_ =	sdelay $0x2  }
0xba: {  	s31 =	sshll.u32 s1, $0xD;
	s1 =	sshrl.u32 s1, $0x2  }
0xbb: {  	s3 =	sand.u32 $0x4000, s31;
	s1 =	sadd.s32 s1, s30  }
0xbc: {  	s0 =	sor.u32 s3, s0;
	s1 =	sshll.u32 s1, $0x11  }
0xbd: {  	s0 =	sor.u32 s1, s0  }
0xbe: {  	s0 =	sadd.s32 $0x8F2B, s0  }
0xbf: {  	[sflag:s0] =	ssyncadd.remote.s32 $0x1  }
0xc0: {  	_ =	sfence.sel $0xFFFF  }
0xc1: {  	[dreg:$0x0] =	wrdreg $0xFFFFFFFF;
	(pc) =	sbr.abs _section_cstart, $3  }
0xc2: {  	[dreg:$0x1] =	wrdreg $0xFFFFFFFF  }
0xc3: {  	_ =	task.clear_ibuf [dreg:s8], $0x2FFFF;
	_ =	strace $0x9FFFFFFF  }
0xc4: {  	(tm) =	ssettm $0x7FFFFFFF  }
0xc5: {  	_ =	shalt  }
tec
execute0_lowered:
.L_overlay_start_1:
0x0: {  	(tag) =	ssettag $0x1  }
0x1: {  	s4 =	rddreg [dreg:$0x0]  }
0x2: {  	s1 =	srdreg.scid;
	s2 =	rddreg [dreg:$0x1]  }
0x3: {  	s0 =	stileid.u32;
	s6 =	rddreg [dreg:$0x2]  }
0x4: {  	s3 =	simm.s32 $0x0;
	s14 =	simm.s32 $0x9C00;
	s16 =	simm.s32 $0xDC00  }
0x5: {  	s17 =	simm.s32 $0x200;
	s18 =	simm.s32 $0x11C00;
	s19 =	simm.s32 $0x1  }
0x6: {  	s20 =	simm.s32 $0x3;
	s21 =	simm.s32 $0x5;
	s22 =	simm.s32 $0x6  }
0x7: {  	s23 =	simm.s32 $0x7;
	s24 =	simm.s32 $0x8;
	s28 =	simm.s32 $0x0  }
0x8: {  	s5 =	sand.u32 $0x1, s1;
	s25 =	sshll.u32 s0, $0x1;
	s11 =	smul.u32 $0x32000, s0  }
0x9: {  	[smem:$0x7FF] =	sst s3;
	s7 =	sor.u32 s5, s25;
	s29 =	smul.u32 $0x19000, s5  }
0xa: {  	s9 =	ssub.s32 $0x2, s5;
	_ =	strace $0x80000047;
	s8 =	smul.u32 $0x380, s7  }
0xb: {  	s25 =	simm.s32 $0x9;
	s7 =	smul.u32 $0x19000, s7;
	s10 =	sshrl.u32 s9, $0x1  }
.Ltmp0:
0xc: {  	s30 =	sadd.s32 s11, s6;
	s11 =	simm.s32 $0x1C00;
	(pc) =	sbr.rel .LBB2_1-.Ltmp0, $4  }
0xd: {  	s26 =	ssub.s32 s9, s10;
	s31 =	sadd.s32 s29, s30;
	s9 =	simm.s32 $0xB  }
0xe: {  	s10 =	simm.s32 $0x80;
	s4 =	sadd.s32 s8, s4;
	s7 =	sadd.s32 s6, s7  }
0xf: {  	s5 =	smax.u32 s26, $0x1;
	s8 =	sadd.s32 $0x2000, s31;
	s26 =	simm.s32 $0xA  }
0x10: {  	s4 =	sadd.s32 $0x400, s4;
	s6 =	sadd.s32 $0x17000, s7;
	s7 =	sadd.s32 $0x18000, s7  }
.LBB2_4:
0x11: {  	_ =	swait.ge [sflag:s22], $0x4000  }
0x12: {  	[sflag:s22] =	ssyncset.done $0x0  }
0x13: {  	[sflag:s22] =	ssyncadd.s32 $0xFFFFC000  }
0x14: {  	_ =	swait.ge [sflag:s23], $0x4000  }
0x15: {  	[sflag:s23] =	ssyncset.done $0x0  }
0x16: {  	[sflag:s23] =	ssyncadd.s32 $0xFFFFC000  }
0x17: {  	_ =	swait.ge [sflag:s24], $0x4000  }
0x18: {  	[sflag:s24] =	ssyncset.done $0x0  }
0x19: {  	s28 =	sadd.s32 $0x1, s28;
	[sflag:s24] =	ssyncadd.s32 $0xFFFFC000  }
0x1a: {  	p0 =	sne.s32 s28, s5;
	_ =	swait.ge [sflag:s25], $0x4000  }
.Ltmp1:
0x1b: {  	[sflag:s25] =	ssyncset.done $0x0;
	(pc) =	sbr.rel @!p0 .LBB2_5-.Ltmp1, $4  }
0x1c: {  	[sflag:s25] =	ssyncadd.s32 $0xFFFFC000  }
0x1d: {  	_ =	swait.ge [sflag:s26], $0x4000  }
0x1e: {  	[sflag:s26] =	ssyncset.done $0x0  }
0x1f: {  	[sflag:s26] =	ssyncadd.s32 $0xFFFFC000  }
.LBB2_1:
0x20: {  	[tilespmem:s3], [sflag:$0xB] =	stream.linear.gather [hbm4b:s4+s3], $0x1900, $0x38;
	[tilespmem:$0x15C00] =	vst v63  }
0x21: {  	_ =	swait.ge [sflag:s9], $0x1900  }
0x22: {  	[sflag:s9] =	ssyncset.done $0x0  }
0x23: {  	[sflag:s9] =	ssyncadd.s32 $0xFFFFE700  }
0x24: {  	[tilespmem:s11], [sflag:$0x1] =	stream.indirect.gather [hbm4b:s2+s10], $0x80, s3, s10, $0xb8;
	[tilespmem:$0x15C00] =	vst v63  }
0x25: {  	s0 =	simm.s32 $0x5C00  }
0x26: {  	[tilespmem:s0], [sflag:$0x2] =	stream.indirect.gather [hbm4b:s2+s10], $0x80, s10, s10, $0xb8;
	[tilespmem:$0x15C00] =	vst v63  }
0x27: {  	s15 =	simm.s32 $0x100  }
0x28: {  	[tilespmem:s14], [sflag:$0x3] =	stream.indirect.gather [hbm4b:s2+s10], $0x80, s15, s10, $0xb8;
	[tilespmem:$0x15C00] =	vst v63  }
0x29: {  	s31 =	simm.s32 $0x180  }
0x2a: {  	[tilespmem:s16], [sflag:$0x4] =	stream.indirect.gather [hbm4b:s2+s10], $0x80, s31, s10, $0xb8;
	[tilespmem:$0x15C00] =	vst v63  }
0x2b: {  	s29 =	smov.u32 s8;
	s30 =	simm.s32 $0x0  }
0x2c: {  	[tilespmem:s18], [sflag:$0x5] =	stream.indirect.gather [hbm4b:s2+s10], $0x80, s17, s10, $0xb8;
	[tilespmem:$0x15C00] =	vst v63  }
.LBB2_2:
0x2d: {  	_ =	swait.ge [sflag:s19], $0x4000  }
0x2e: {  	[sflag:s19] =	ssyncset.done $0x0  }
0x2f: {  	s31 =	sadd.s32 $0xFFFFE000, s29;
	p0 =	seq.s32 s30, $0x5A00;
	[sflag:s19] =	ssyncadd.s32 $0xFFFFC000  }
0x30: {  	[hbm4b:s31+s3] =	stream.linear.scatter [tilespmem:s11], [sflag:$0x6], $0x4000, $0x38;
	[tilespmem:$0x15C00] =	vst v63  }
0x31: {  	s31 =	simm.s32 @p0 $0x2  }
0x32: {  	_ =	swait.ge @p0 [sflag:s31], $0x4000  }
0x33: {  	[sflag:s31] =	ssyncset.done @p0 $0x0  }
0x34: {  	s1 =	simm.s32 @p0 $0x5C00;
	[sflag:s31] =	ssyncadd.s32 @p0 $0xFFFFC000;
	s31 =	simm.s32 @p0 $0x0  }
0x35: {  	[hbm4b:s6+s31] =	stream.linear.scatter @p0 [tilespmem:s1], [sflag:$0x7], $0x4000, $0x38;
	[tilespmem:$0x15C00] =	vst v63  }
0x36: {  	s1 =	simm.s32 @!p0 $0x6  }
0x37: {  	_ =	swait.ge @!p0 [sflag:s1], $0x4000  }
0x38: {  	[sflag:s1] =	ssyncset.done @!p0 $0x0  }
0x39: {  	[sflag:s1] =	ssyncadd.s32 @!p0 $0xFFFFC000;
	s1 =	sshra.s32 @!p0 s30, $0x2  }
0x3a: {  	s12 =	simm.s32 @!p0 $0x80;
	s13 =	simm.s32 @!p0 $0x1C00;
	s0 =	sadd.s32 @!p0 $0x280, s1  }
0x3b: {  	[tilespmem:s13], [sflag:$0x1] =	stream.indirect.gather @!p0 [hbm4b:s2+s12], $0x80, s0, s12, $0xb8;
	[tilespmem:$0x15C00] =	vst v63  }
0x3c: {  	s0 =	simm.s32 @!p0 $0x2  }
0x3d: {  	_ =	swait.ge @!p0 [sflag:s0], $0x4000  }
0x3e: {  	s15 =	simm.s32 @!p0 $0x5C00;
	[sflag:s0] =	ssyncset.done @!p0 $0x0  }
0x3f: {  	s13 =	simm.s32 @!p0 $0x0;
	[sflag:s0] =	ssyncadd.s32 @!p0 $0xFFFFC000;
	s0 =	sadd.s32 @!p0 $0xFFFFE800, s29  }
0x40: {  	[hbm4b:s0+s13] =	stream.linear.scatter @!p0 [tilespmem:s15], [sflag:$0x7], $0x4000, $0x38;
	[tilespmem:$0x15C00] =	vst v63  }
0x41: {  	s0 =	simm.s32 @!p0 $0x7  }
0x42: {  	_ =	swait.ge @!p0 [sflag:s0], $0x4000  }
0x43: {  	[sflag:s0] =	ssyncset.done @!p0 $0x0  }
0x44: {  	[sflag:s0] =	ssyncadd.s32 @!p0 $0xFFFFC000;
	s0 =	sadd.s32 @!p0 $0x300, s1  }
0x45: {  	[tilespmem:s15], [sflag:$0x2] =	stream.indirect.gather @!p0 [hbm4b:s2+s12], $0x80, s0, s12, $0xb8;
	[tilespmem:$0x15C00] =	vst v63  }
0x46: {  	_ =	swait.ge [sflag:s20], $0x4000  }
0x47: {  	[sflag:s20] =	ssyncset.done $0x0  }
0x48: {  	s15 =	sadd.s32 $0xFFFFF000, s29;
	s0 =	simm.s32 @p0 $0x4;
	[sflag:s20] =	ssyncadd.s32 $0xFFFFC000  }
0x49: {  	[hbm4b:s15+s3] =	stream.linear.scatter [tilespmem:s14], [sflag:$0x8], $0x4000, $0x38;
	[tilespmem:$0x15C00] =	vst v63  }
0x4a: {  	_ =	swait.ge @p0 [sflag:s0], $0x4000  }
0x4b: {  	[sflag:s0] =	ssyncset.done @p0 $0x0  }
0x4c: {  	[sflag:s0] =	ssyncadd.s32 @p0 $0xFFFFC000;
	s0 =	simm.s32 @p0 $0xDC00  }
0x4d: {  	[hbm4b:s7+s31] =	stream.linear.scatter @p0 [tilespmem:s0], [sflag:$0x9], $0x4000, $0x38;
	[tilespmem:$0x15C00] =	vst v63  }
0x4e: {  	s0 =	simm.s32 @!p0 $0x8  }
0x4f: {  	_ =	swait.ge @!p0 [sflag:s0], $0x4000  }
0x50: {  	[sflag:s0] =	ssyncset.done @!p0 $0x0  }
0x51: {  	s15 =	simm.s32 @!p0 $0x9C00;
	[sflag:s0] =	ssyncadd.s32 @!p0 $0xFFFFC000;
	s0 =	sadd.s32 @!p0 $0x380, s1  }
0x52: {  	[tilespmem:s15], [sflag:$0x3] =	stream.indirect.gather @!p0 [hbm4b:s2+s12], $0x80, s0, s12, $0xb8;
	[tilespmem:$0x15C00] =	vst v63  }
0x53: {  	s0 =	simm.s32 @!p0 $0x4  }
0x54: {  	_ =	swait.ge @!p0 [sflag:s0], $0x4000  }
0x55: {  	[sflag:s0] =	ssyncset.done @!p0 $0x0  }
0x56: {  	s15 =	simm.s32 @!p0 $0xDC00;
	[sflag:s0] =	ssyncadd.s32 @!p0 $0xFFFFC000;
	s0 =	sadd.s32 @!p0 $0xFFFFF800, s29  }
0x57: {  	[hbm4b:s0+s13] =	stream.linear.scatter @!p0 [tilespmem:s15], [sflag:$0x9], $0x4000, $0x38;
	[tilespmem:$0x15C00] =	vst v63  }
0x58: {  	s0 =	simm.s32 @!p0 $0x9  }
0x59: {  	_ =	swait.ge @!p0 [sflag:s0], $0x4000  }
0x5a: {  	[sflag:s0] =	ssyncset.done @!p0 $0x0  }
0x5b: {  	[sflag:s0] =	ssyncadd.s32 @!p0 $0xFFFFC000;
	s0 =	sadd.s32 @!p0 $0x400, s1  }
0x5c: {  	[tilespmem:s15], [sflag:$0x4] =	stream.indirect.gather @!p0 [hbm4b:s2+s12], $0x80, s0, s12, $0xb8;
	[tilespmem:$0x15C00] =	vst v63  }
.Ltmp2:
0x5d: {  	_ = 	snop;
	(pc) =	sbr.rel @p0 .LBB2_4-.Ltmp2, $4  }
0x5e: {  	_ =	swait.ge [sflag:s21], $0x4000  }
0x5f: {  	[sflag:s21] =	ssyncset.done $0x0  }
0x60: {  	[sflag:s21] =	ssyncadd.s32 $0xFFFFC000  }
0x61: {  	[hbm4b:s29+s3] =	stream.linear.scatter [tilespmem:s18], [sflag:$0xA], $0x4000, $0x38;
	[tilespmem:$0x15C00] =	vst v63  }
.Ltmp3:
0x62: {  	(pc) =	sbr.rel .LBB2_2-.Ltmp3, $4  }
0x63: {  	_ =	swait.ge [sflag:s26], $0x4000  }
0x64: {  	s0 =	sshra.s32 s30, $0x2;
	s30 =	sadd.s32 $0xA00, s30;
	[sflag:s26] =	ssyncset.done $0x0  }
0x65: {  	s29 =	sadd.s32 $0x2800, s29;
	s0 =	sadd.s32 $0x480, s0;
	[sflag:s26] =	ssyncadd.s32 $0xFFFFC000  }
0x66: {  	[tilespmem:s18], [sflag:$0x5] =	stream.indirect.gather [hbm4b:s2+s10], $0x80, s0, s10, $0xb8;
	[tilespmem:$0x15C00] =	vst v63  }
.LBB2_5:
0x67: {  	_ =	sfence.sel $0x180000  }
0x68: {  	[bflag:$0x0] =	sbarrier.arrive $0xFFFF  }
0x69: {  	_ =	strace $0x90000047  }
0x6a: {  	s0 =	stileid.u32;
	[bflag:$0x2] =	sbarrier.arrive $0xFFFF  }
0x6b: {  	p0 =	sne.s32 s0, $0x0;
	s0 =	rddreg [dreg:$0x3]  }
0x6c: {  	s0 =	sadd.s32 @!p0 $0x100000, s0  }
0x6d: {  	[sflag:s0] =	ssyncadd.tile.s32 @!p0 $0x1;
	_ =	shalt  }
.Lfunc_end2:
_tile_overlayer_lowered:
.L_overlay_start_2:
0x6e: {  	(tag) =	ssettag $0x2  }
0x6f: {  	s0 =	rddreg [dreg:$0x0];
	s2 =	stileid.u32  }
0x70: {  	s1 =	rddreg [dreg:$0x1];
	p0 =	sne.s32 s2, $0x0  }
0x71: {  	s3 =	rddreg [dreg:$0x2];
	[bflag:$0x3] =	sbarrier.arrive $0xFFFF;
	s2 =	simm.s32 @!p0 $0x1C0B  }
0x72: {  	[timem:s3], [sflag:s2] =	dma.local @!p0 [hbm:s0], s1  }
0x73: {  	s0 =	simm.s32 @!p0 $0xB  }
0x74: {  	_ =	swait.ge @!p0 [sflag:s0], s1  }
0x75: {  	s1 =	ssub.s32 @!p0 $0x0, s1;
	[sflag:s0] =	ssyncset.done @!p0 $0x0  }
0x76: {  	[sflag:s0] =	ssyncadd.s32 @!p0 s1  }
0x77: {  	[bflag:$0x3] =	sbarrier.arrive $0xFFFF  }
0x78: {  	_ =	shalt  }

</sc_bundles>
